<compile_context>
chip_gen: v7x
topology: tpu7x:2x2x1
jax: 0.10.2.dev20260603
libtpu: 0.0.44.dev20260713+nightly
codegen_flags: <defaults>
</compile_context>

<pallas_src>
import jax
import jax.numpy as jnp
from jax import lax
from jax.experimental import pallas as pl
from jax.experimental.pallas import tpu as pltpu

_N = 4194304
_L = 128
_RROWS = _N // _L
_IROWS = (2 * _N) // _L
_BR = 256
_GRID = _RROWS // _BR

_C2 = float(jnp.pi) * 2.0
_C4 = float(jnp.pi) * 4.0
_HALF_PI = float(jnp.pi) / 2.0


def _body(ws_ref, rdn_ref, wo_ref, g_ref, out_ref, d_ref):
    @pl.when(pl.program_id(0) == 0)
    def _():
        j = lax.broadcasted_iota(jnp.int32, (_L, 2 * _L), 0)
        l = lax.broadcasted_iota(jnp.int32, (_L, 2 * _L), 1)
        d_ref[...] = (j == lax.div(l, 2)).astype(jnp.bfloat16)

    w0 = ws_ref[0, 0]
    w1 = ws_ref[0, 1]
    wm = jnp.maximum(w0, w1)
    shp = (_BR, _L)
    e0 = jnp.exp(jnp.full(shp, w0 - wm, jnp.float32))
    e1 = jnp.exp(jnp.full(shp, w1 - wm, jnp.float32))
    p = e1 / (e0 + e1)

    msk = (rdn_ref[...] < p).astype(jnp.bfloat16)
    mexp = lax.dot_general(msk, d_ref[...], (((1,), (0,)), ((), ())),
                           preferred_element_type=jnp.float32)
    lam = mexp.reshape(2 * _BR, _L) > 0.5

    v = wo_ref[...]
    even = (lax.broadcasted_iota(jnp.int32, v.shape, 1) & 1) == 0
    pn = jnp.where(even, pltpu.roll(v, _L - 1, 1), pltpu.roll(v, 1, 1))

    x2 = v * 2.0 - 1.0
    p2 = pn * 2.0 - 1.0
    xv = jnp.where(even, x2, p2)
    yv = jnp.where(even, p2, x2)
    av = jnp.abs(xv)
    ay = jnp.abs(yv)
    xdom = av > ay
    nz = jnp.maximum(av, ay) > 0.0
    cond2 = jnp.logical_and(jnp.logical_not(xdom), nz)

    num = jnp.where(xdom, yv, xv)
    den = jnp.where(xdom, xv, jnp.where(cond2, yv, 1.0))
    ratio = (jnp.float32(_C4) * num) / den
    theta = jnp.where(xdom, ratio, jnp.float32(_C2) - ratio)
    r = jnp.where(xdom, xv, yv)
    phase = jnp.where(even, 0.0, jnp.float32(_HALF_PI))
    z_lam = r * jnp.cos(theta - phase)

    z_gauss = g_ref[...] * jnp.sqrt(jnp.float32(0.1))
    out_ref[...] = jnp.where(lam, z_lam, z_gauss)


def kernel(weight_scores, rdn, wo, gauss_base):
    rdn2 = rdn.reshape(_RROWS, _L)
    wo2 = wo.reshape(_IROWS, _L)
    g2 = gauss_base.reshape(_IROWS, _L)
    out = pl.pallas_call(
        _body,
        grid=(_GRID,),
        in_specs=[
            pl.BlockSpec(memory_space=pltpu.SMEM),
            pl.BlockSpec((_BR, _L), lambda i: (i, 0)),
            pl.BlockSpec((2 * _BR, _L), lambda i: (i, 0)),
            pl.BlockSpec((2 * _BR, _L), lambda i: (i, 0)),
        ],
        out_specs=pl.BlockSpec((2 * _BR, _L), lambda i: (i, 0)),
        out_shape=jax.ShapeDtypeStruct((_IROWS, _L), jnp.float32),
        scratch_shapes=[pltpu.VMEM((_L, 2 * _L), jnp.bfloat16)],
    )(weight_scores, rdn2, wo2, g2)
    return out.reshape(_N, 2)

# --- scband reference (transcript-rebuilt; emitter-appended) ---
"""Pipeline reference for scband-gmmiso-63745904607844 (READ-ONLY COPY).

The authoritative reference and input builder live on the scoring server;
editing this copy changes nothing except your own understanding.
"""

import jax, jax.numpy as jnp
import numpy as np

N = 4194304
PI_over_2 = jnp.pi * 2.0
PI_over_4 = jnp.pi * 4.0


def setup_inputs(seed: int = 0) -> dict:
    key = jax.random.key(seed)
    k1, k2, k3 = jax.random.split(key, 3)
    # weight_scores buffer: log of normalized ones(n_modes+1) -> log(0.5) each; softmax-equivalent to zeros
    weight_scores = jnp.log(0.5 * jnp.ones((1, 2), dtype=jnp.float32))
    # base uniforms for mixture selection (torch.rand(num_samples))
    rdn = jax.random.uniform(k1, (N,), dtype=jnp.float32)
    # base uniforms for Lambertian lobe (torch.rand(num_samples, 2), mapped to [-1,1] inside reference)
    wo = jax.random.uniform(k2, (N, 2), dtype=jnp.float32)
    # standard normal base for the isotropic Gaussian with cov 0.1*I (chol = sqrt(0.1)*I)
    gauss_base = jax.random.normal(k3, (N, 2), dtype=jnp.float32)
    return {"weight_scores": weight_scores, "rdn": rdn, "wo": wo, "gauss_base": gauss_base}


def _lambertian_sample(wo):
    wo2 = wo * 2.0 - 1.0
    x = wo2[:, 0]
    y = wo2[:, 1]
    nonzero = ~((x == 0) & (y == 0))
    cond1 = (jnp.abs(x) > jnp.abs(y)) & nonzero
    cond2 = (~cond1) & nonzero
    safe_x = jnp.where(cond1, x, 1.0)
    safe_y = jnp.where(cond2, y, 1.0)
    sx1 = x * jnp.cos(PI_over_4 * y / safe_x)
    sy1 = x * jnp.sin(PI_over_4 * y / safe_x)
    sx2 = y * jnp.cos(PI_over_2 - PI_over_4 * x / safe_y)
    sy2 = y * jnp.sin(PI_over_2 - PI_over_4 * x / safe_y)
    zx = jnp.where(cond1, sx1, jnp.where(cond2, sx2, 0.0))
    zy = jnp.where(cond1, sy1, jnp.where(cond2, sy2, 0.0))
    return jnp.stack([zx, zy], axis=1)


def reference(weight_scores, rdn, wo, gauss_base):
    # weights = softmax(weight_scores, 1); last component is Lambertian mixture weight
    weights = jax.nn.softmax(weight_scores, axis=1)
    p_lambert = weights[0, -1]
    lambert_mask = rdn < p_lambert
    # Lambertian lobe samples (concentric-map style, using the literal constants from the torch code)
    z_lambert = _lambertian_sample(wo)
    # Gaussian samples ~ N(0, 0.1*I): chol(0.1*I) = sqrt(0.1)*I
    z_gauss = gauss_base * jnp.sqrt(jnp.float32(0.1))
    # scatter by mask (equivalent to z[gauss_mask]=z_gauss; z[lambert_mask]=z_lambert)
    z = jnp.where(lambert_mask[:, None], z_lambert, z_gauss)
    return z

if __name__ == "__main__":
    import jax
    _d = setup_inputs()
    print(jax.jit(kernel)(*tuple(_d.values())))

</pallas_src>

<mosaic_0001>
module attributes {stable_mosaic.version = 14 : i64} {
  func.func @_body(%arg0: i32, %arg1: memref<1x2xf32, #tpu.memory_space<smem>>, %arg2: memref<256x128xf32, #tpu.memory_space<vmem>>, %arg3: memref<512x128xf32, #tpu.memory_space<vmem>>, %arg4: memref<512x128xf32, #tpu.memory_space<vmem>>, %arg5: memref<512x128xf32, #tpu.memory_space<vmem>>, %arg6: memref<128x256xbf16, #tpu.memory_space<vmem>>) attributes {dimension_semantics = [#tpu.dimension_semantics<arbitrary>], iteration_bounds = array<i64: 128>, scalar_prefetch = 0 : i64, scratch_operands = 1 : i64, tpu.core_type = #tpu.core_type<tc>, window_params = [{transform_indices = @transform_0, window_bounds = array<i64: 1, 2>}, {transform_indices = @transform_1, window_bounds = array<i64: 256, 128>}, {transform_indices = @transform_2, window_bounds = array<i64: 512, 128>}, {transform_indices = @transform_3, window_bounds = array<i64: 512, 128>}, {transform_indices = @transform_4, window_bounds = array<i64: 512, 128>}]} {
    %eq3A = arith.constant 0 : i32
    %eq3A_0 = arith.cmpi eq, %arg0, %eq3A : i32
    %convert_element_type3A = arith.extui %eq3A_0 : i1 to i32
    %cond3A = arith.constant 0 : i32
    %cond3A_1 = arith.cmpi ne, %convert_element_type3A, %cond3A : i32
    scf.if %cond3A_1 {
      %iota3A_83 = tpu.iota {dimensions = array<i32: 0>} : vector<128x256xi32>
      %iota3A_84 = tpu.iota {dimensions = array<i32: 1>} : vector<128x256xi32>
      %div3A_85 = arith.constant 2 : i32
      %div3A_86 = vector.broadcast %div3A_85 : i32 to vector<128x256xi32>
      %div3A_87 = arith.divsi %iota3A_84, %div3A_86 : vector<128x256xi32>
      %eq3A_88 = arith.cmpi eq, %iota3A_83, %div3A_87 : vector<128x256xi32>
      %convert_element_type3A_89 = arith.extui %eq3A_88 : vector<128x256xi1> to vector<128x256xi32>
      %convert_element_type3A_90 = arith.sitofp %convert_element_type3A_89 : vector<128x256xi32> to vector<128x256xf32>
      %convert_element_type3A_91 = arith.truncf %convert_element_type3A_90 : vector<128x256xf32> to vector<128x256xbf16>
      %swap3A_92 = arith.constant 0 : index
      %swap3A_93 = arith.constant 0 : index
      %swap3A_94 = vector.load %arg6[%swap3A_92, %swap3A_93] : memref<128x256xbf16, #tpu.memory_space<vmem>>, vector<128x256xbf16>
      tpu.vector_store %arg6[%swap3A_92, %swap3A_93], %convert_element_type3A_91 {strides = array<i32>} : memref<128x256xbf16, #tpu.memory_space<vmem>>, vector<128x256xbf16>,
    } else {
    }
    %get3A = arith.constant 0 : index
    %get3A_2 = arith.constant 0 : index
    %get3A_3 = memref.load %arg1[%get3A, %get3A_2] : memref<1x2xf32, #tpu.memory_space<smem>>
    %get3A_4 = arith.constant 0 : index
    %get3A_5 = arith.constant 1 : index
    %get3A_6 = memref.load %arg1[%get3A_4, %get3A_5] : memref<1x2xf32, #tpu.memory_space<smem>>
    %max3A = arith.maximumf %get3A_3, %get3A_6 : f32
    %sub3A = arith.subf %get3A_3, %max3A : f32
    %broadcast_in_dim3A = vector.broadcast %sub3A : f32 to vector<256x128xf32>
    %exp3A = math.exp %broadcast_in_dim3A : vector<256x128xf32>
    %sub3A_7 = arith.subf %get3A_6, %max3A : f32
    %broadcast_in_dim3A_8 = vector.broadcast %sub3A_7 : f32 to vector<256x128xf32>
    %exp3A_9 = math.exp %broadcast_in_dim3A_8 : vector<256x128xf32>
    %add3A = arith.addf %exp3A, %exp3A_9 : vector<256x128xf32>
    %div3A = arith.divf %exp3A_9, %add3A : vector<256x128xf32>
    %get3A_10 = arith.constant 0 : index
    %get3A_11 = arith.constant 0 : index
    %get3A_12 = vector.load %arg2[%get3A_10, %get3A_11] : memref<256x128xf32, #tpu.memory_space<vmem>>, vector<256x128xf32>
    %lt3A = arith.cmpf olt, %get3A_12, %div3A : vector<256x128xf32>
    %convert_element_type3A_13 = arith.extui %lt3A : vector<256x128xi1> to vector<256x128xi32>
    %convert_element_type3A_14 = arith.sitofp %convert_element_type3A_13 : vector<256x128xi32> to vector<256x128xf32>
    %convert_element_type3A_15 = arith.truncf %convert_element_type3A_14 : vector<256x128xf32> to vector<256x128xbf16>
    %get3A_16 = arith.constant 0 : index
    %get3A_17 = arith.constant 0 : index
    %get3A_18 = vector.load %arg6[%get3A_16, %get3A_17] : memref<128x256xbf16, #tpu.memory_space<vmem>>, vector<128x256xbf16>
    %dot_general3A = arith.constant dense<0.000000e+00> : vector<256x256xf32>
    %dot_general3A_19 = tpu.matmul %convert_element_type3A_15, %get3A_18, %dot_general3A {dimension_numbers = #tpu.dot_dimension_numbers<[1], [0], [0], [1], [0, 0, 1, 1], [], []>, transpose_lhs_hint = false} : vector<256x128xbf16>, vector<128x256xbf16>, vector<256x256xf32> -> vector<256x256xf32>
    %reshape3A = vector.shape_cast %dot_general3A_19 : vector<256x256xf32> to vector<512x128xf32>
    %gt3A = arith.constant 5.000000e-01 : f32
    %gt3A_20 = vector.broadcast %gt3A : f32 to vector<512x128xf32>
    %gt3A_21 = arith.cmpf ogt, %reshape3A, %gt3A_20 : vector<512x128xf32>
    %get3A_22 = arith.constant 0 : index
    %get3A_23 = arith.constant 0 : index
    %get3A_24 = vector.load %arg3[%get3A_22, %get3A_23] : memref<512x128xf32, #tpu.memory_space<vmem>>, vector<512x128xf32>
    %iota3A = tpu.iota {dimensions = array<i32: 1>} : vector<512x128xi32>
    %and3A = arith.constant 1 : i32
    %and3A_25 = vector.broadcast %and3A : i32 to vector<512x128xi32>
    %and3A_26 = arith.andi %iota3A, %and3A_25 : vector<512x128xi32>
    %eq3A_27 = arith.constant 0 : i32
    %eq3A_28 = vector.broadcast %eq3A_27 : i32 to vector<512x128xi32>
    %eq3A_29 = arith.cmpi eq, %and3A_26, %eq3A_28 : vector<512x128xi32>
    %roll3A = arith.constant 127 : i32
    %roll3A_30 = tpu.dynamic_rotate %get3A_24 by %roll3A dim 1 : vector<512x128xf32>, i32 -> vector<512x128xf32>
    %roll3A_31 = arith.constant 1 : i32
    %roll3A_32 = tpu.dynamic_rotate %get3A_24 by %roll3A_31 dim 1 : vector<512x128xf32>, i32 -> vector<512x128xf32>
    %select_n3A = arith.select %eq3A_29, %roll3A_30, %roll3A_32 : vector<512x128xi1>, vector<512x128xf32>
    %mul3A = arith.constant 2.000000e+00 : f32
    %mul3A_33 = vector.broadcast %mul3A : f32 to vector<512x128xf32>
    %mul3A_34 = arith.mulf %get3A_24, %mul3A_33 : vector<512x128xf32>
    %sub3A_35 = arith.constant 1.000000e+00 : f32
    %sub3A_36 = vector.broadcast %sub3A_35 : f32 to vector<512x128xf32>
    %sub3A_37 = arith.subf %mul3A_34, %sub3A_36 : vector<512x128xf32>
    %mul3A_38 = arith.constant 2.000000e+00 : f32
    %mul3A_39 = vector.broadcast %mul3A_38 : f32 to vector<512x128xf32>
    %mul3A_40 = arith.mulf %select_n3A, %mul3A_39 : vector<512x128xf32>
    %sub3A_41 = arith.constant 1.000000e+00 : f32
    %sub3A_42 = vector.broadcast %sub3A_41 : f32 to vector<512x128xf32>
    %sub3A_43 = arith.subf %mul3A_40, %sub3A_42 : vector<512x128xf32>
    %select_n3A_44 = arith.select %eq3A_29, %sub3A_37, %sub3A_43 : vector<512x128xi1>, vector<512x128xf32>
    %select_n3A_45 = arith.select %eq3A_29, %sub3A_43, %sub3A_37 : vector<512x128xi1>, vector<512x128xf32>
    %abs3A = math.absf %select_n3A_44 : vector<512x128xf32>
    %abs3A_46 = math.absf %select_n3A_45 : vector<512x128xf32>
    %gt3A_47 = arith.cmpf ogt, %abs3A, %abs3A_46 : vector<512x128xf32>
    %max3A_48 = arith.maximumf %abs3A, %abs3A_46 : vector<512x128xf32>
    %gt3A_49 = arith.constant 0.000000e+00 : f32
    %gt3A_50 = vector.broadcast %gt3A_49 : f32 to vector<512x128xf32>
    %gt3A_51 = arith.cmpf ogt, %max3A_48, %gt3A_50 : vector<512x128xf32>
    %not3A = arith.constant dense<true> : vector<512x128xi1>
    %not3A_52 = arith.xori %gt3A_47, %not3A : vector<512x128xi1>
    %and3A_53 = arith.andi %not3A_52, %gt3A_51 : vector<512x128xi1>
    %select_n3A_54 = arith.select %gt3A_47, %select_n3A_45, %select_n3A_44 : vector<512x128xi1>, vector<512x128xf32>
    %jit3A = arith.constant 1.000000e+00 : f32
    %broadcast_in_dim3A_55 = vector.broadcast %jit3A : f32 to vector<512x128xf32>
    %select_n3A_56 = arith.select %and3A_53, %select_n3A_45, %broadcast_in_dim3A_55 : vector<512x128xi1>, vector<512x128xf32>
    %select_n3A_57 = arith.select %gt3A_47, %select_n3A_44, %select_n3A_56 : vector<512x128xi1>, vector<512x128xf32>
    %mul3A_58 = arith.constant 12.566371 : f32
    %mul3A_59 = vector.broadcast %mul3A_58 : f32 to vector<512x128xf32>
    %mul3A_60 = arith.mulf %mul3A_59, %select_n3A_54 : vector<512x128xf32>
    %div3A_61 = arith.divf %mul3A_60, %select_n3A_57 : vector<512x128xf32>
    %sub3A_62 = arith.constant 6.28318548 : f32
    %sub3A_63 = vector.broadcast %sub3A_62 : f32 to vector<512x128xf32>
    %sub3A_64 = arith.subf %sub3A_63, %div3A_61 : vector<512x128xf32>
    %select_n3A_65 = arith.select %gt3A_47, %div3A_61, %sub3A_64 : vector<512x128xi1>, vector<512x128xf32>
    %select_n3A_66 = arith.select %gt3A_47, %select_n3A_44, %select_n3A_45 : vector<512x128xi1>, vector<512x128xf32>
    %jit3A_67 = arith.constant 0.000000e+00 : f32
    %jit3A_68 = arith.constant 1.57079637 : f32
    %broadcast_in_dim3A_69 = vector.broadcast %jit3A_67 : f32 to vector<512x128xf32>
    %broadcast_in_dim3A_70 = vector.broadcast %jit3A_68 : f32 to vector<512x128xf32>
    %select_n3A_71 = arith.select %eq3A_29, %broadcast_in_dim3A_69, %broadcast_in_dim3A_70 : vector<512x128xi1>, vector<512x128xf32>
    %sub3A_72 = arith.subf %select_n3A_65, %select_n3A_71 : vector<512x128xf32>
    %cos3A = math.cos %sub3A_72 : vector<512x128xf32>
    %mul3A_73 = arith.mulf %select_n3A_66, %cos3A : vector<512x128xf32>
    %get3A_74 = arith.constant 0 : index
    %get3A_75 = arith.constant 0 : index
    %get3A_76 = vector.load %arg4[%get3A_74, %get3A_75] : memref<512x128xf32, #tpu.memory_space<vmem>>, vector<512x128xf32>
    %sqrt3A = arith.constant 1.000000e-01 : f32
    %sqrt3A_77 = math.sqrt %sqrt3A : f32
    %mul3A_78 = vector.broadcast %sqrt3A_77 : f32 to vector<512x128xf32>
    %mul3A_79 = arith.mulf %get3A_76, %mul3A_78 : vector<512x128xf32>
    %select_n3A_80 = arith.select %gt3A_21, %mul3A_73, %mul3A_79 : vector<512x128xi1>, vector<512x128xf32>
    %swap3A = arith.constant 0 : index
    %swap3A_81 = arith.constant 0 : index
    %swap3A_82 = vector.load %arg5[%swap3A, %swap3A_81] : memref<512x128xf32, #tpu.memory_space<vmem>>, vector<512x128xf32>
    tpu.vector_store %arg5[%swap3A, %swap3A_81], %select_n3A_80 {strides = array<i32>} : memref<512x128xf32, #tpu.memory_space<vmem>>, vector<512x128xf32>,
    return
  }
  func.func @transform_0(%arg0: i32) -> (i32, i32) {
    %c0_i32 = arith.constant 0 : i32
    %c0_i32_0 = arith.constant 0 : i32
    %c0_i32_1 = arith.constant 0 : i32
    return %c0_i32, %c0_i32_0 : i32, i32
  }
  func.func @transform_1(%arg0: i32) -> (i32, i32) {
    %c0_i32 = arith.constant 0 : i32
    %c0_i32_0 = arith.constant 0 : i32
    return %arg0, %c0_i32 : i32, i32
  }
  func.func @transform_2(%arg0: i32) -> (i32, i32) {
    %c0_i32 = arith.constant 0 : i32
    %c0_i32_0 = arith.constant 0 : i32
    return %arg0, %c0_i32 : i32, i32
  }
  func.func @transform_3(%arg0: i32) -> (i32, i32) {
    %c0_i32 = arith.constant 0 : i32
    %c0_i32_0 = arith.constant 0 : i32
    return %arg0, %c0_i32 : i32, i32
  }
  func.func @transform_4(%arg0: i32) -> (i32, i32) {
    %c0_i32 = arith.constant 0 : i32
    %c0_i32_0 = arith.constant 0 : i32
    return %arg0, %c0_i32 : i32, i32
  }
}

</mosaic_0001>

<sc_bundles>
// kernel: sparse-core-data-format-call.cloned.1.call-start
scs
called_computation_lowered:
.L_overlay_start_0:
0x0: {  	s2 =	sld [smem:$0x3FD9]  }
0x1: {  	s3 =	sld [smem:$0x3FFE];
	_ =	sdelay $0x1  }
0x2: {  	s1 =	srdreg.scid  }
0x3: {  	s0 =	sand.u32 $0x1, s1  }
0x4: {  	s18 =	sshll.u32 s0, $0xA;
	s2 =	sadd.s32 s3, s2  }
0x5: {  	s2 =	sadd.s32 s2, s18  }
0x6: {  	[smem:$0x3FC4] =	sst s2  }
0x7: {  	_ = 	snop  }
0x8: {  	s2 =	sld [smem:$0x3FD0];
	(tm) =	ssettm $0x1  }
0x9: {  	s19 =	sld [smem:$0x3FFB];
	_ =	sdelay $0x3  }
0xa: {  	_ =	strace s19  }
0xb: {  	s3 =	sld [smem:$0x3FFC];
	_ =	sdelay $0x3  }
0xc: {  	_ =	strace s3  }
0xd: {  	s3 =	sld [smem:$0x3FFD];
	_ =	sdelay $0x3  }
0xe: {  	_ =	strace s3  }
0xf: {  	_ =	strace $0x8FFFFFFF  }
0x10: {  	s20 =	sld [smem:$0x3FDB];
	_ =	sdelay $0x1  }
0x11: {  	s4 =	simm.s32 $_scs_section_size  }
0x12: {  	s5 =	simm.s32 $_size__tile_overlayer_lowered;
	s6 =	simm.s32 $_tile_overlayer_lowered  }
0x13: {  	s23 =	simm.s32 $0x1BFF;
	s22 =	sshll.u32 s6, $0x1;
	s3 =	sadd.s32 s4, s20  }
0x14: {  	s7 =	simm.s32 $0x0;
	s21 =	sshll.u32 s5, $0x1;
	s5 =	sadd.s32 s22, s3  }
0x15: {  	[timem:s7], [sflag:s23] =	dma.local [hbm:s5], s21  }
0x16: {  	_ =	swait.ge [sflag:s23], s21  }
0x17: {  	s4 =	ssub.s32 $0x0, s21;
	[sflag:s23] =	ssyncset.done $0x0  }
0x18: {  	[sflag:s23] =	ssyncadd.s32 s4;
	_ =	sdelay $0x1  }
0x19: {  	s24 =	simm.s32 $0x1B8B  }
0x1a: {  	_ =	swait.ge [sflag:s24], $0x1  }
0x1b: {  	[sflag:s24] =	ssyncset.done $0x0  }
0x1c: {  	s26 =	simm.s32 $0x1B8E;
	s25 =	sld [smem:$0x3FFE];
	[sflag:s24] =	ssyncadd.s32 $0xFFFFFFFF  }
0x1d: {  	s27 =	simm.s32 $execute0_lowered;
	[smem:$0x3FD2] =	sst s26  }
0x1e: {  	s5 =	sshll.u32 s27, $0x1;
	_ =	strace $0x80000046;
	[dreg:$0x1] =	wrdreg $0xFFFFFFFF  }
0x1f: {  	s28 =	simm.s32 $_size_execute0_lowered;
	s3 =	sadd.s32 s3, s5;
	[dreg:$0x0] =	wrdreg $0x0  }
0x20: {  	s5 =	sshll.u32 s28, $0x1;
	[dreg:$0x2] =	wrdreg s3  }
0x21: {  	[dreg:$0x3] =	wrdreg s5  }
0x22: {  	[dreg:$0x4] =	wrdreg $0xC0  }
0x23: {  	_ =	task [dreg:s7], $0x5FFFF  }
0x24: {  	[dreg:$0x1] =	wrdreg $0xFFFFFFFF  }
0x25: {  	[dreg:$0x0] =	wrdreg $0x60  }
0x26: {  	[dreg:$0x2] =	wrdreg s25  }
0x27: {  	[dreg:$0x3] =	wrdreg s2  }
0x28: {  	[dreg:$0x4] =	wrdreg $0x9  }
0x29: {  	_ =	task.clear_ibuf [dreg:s7], $0x5FFFF;
	_ =	strace $0x90000046  }
0x2a: {  	s29 =	simm.s32 $0x9;
	_ =	strace $0x80000048  }
0x2b: {  	_ =	swait.ge [sflag:s29], $0x1  }
0x2c: {  	[sflag:s29] =	ssyncadd.s32 $0xFFFFFFFF  }
0x2d: {  	_ =	strace $0x90000048  }
0x2e: {  	_ =	sfence  }
0x2f: {  	s30 =	sld [smem:$0x0];
	_ =	sdelay $0x2  }
0x30: {  	s31 =	sshll.u32 s1, $0xD;
	s1 =	sshrl.u32 s1, $0x2  }
0x31: {  	s3 =	sand.u32 $0x4000, s31;
	s1 =	sadd.s32 s1, s30  }
0x32: {  	s0 =	sor.u32 s3, s0;
	s1 =	sshll.u32 s1, $0x11  }
0x33: {  	s0 =	sor.u32 s1, s0  }
0x34: {  	s0 =	sadd.s32 $0x8F2B, s0  }
0x35: {  	[sflag:s0] =	ssyncadd.remote.s32 $0x1  }
0x36: {  	_ =	sfence.sel $0xFFFF  }
0x37: {  	[dreg:$0x0] =	wrdreg $0xFFFFFFFF;
	(pc) =	sbr.abs _section_cstart, $3  }
0x38: {  	[dreg:$0x1] =	wrdreg $0xFFFFFFFF  }
0x39: {  	_ =	task.clear_ibuf [dreg:s7], $0x2FFFF;
	_ =	strace $0x9FFFFFFF  }
0x3a: {  	(tm) =	ssettm $0x7FFFFFFF  }
0x3b: {  	_ =	shalt  }
tec
execute0_lowered:
.L_overlay_start_1:
0x0: {  	(tag) =	ssettag $0x1  }
0x1: {  	s0 =	srdreg.scid  }
0x2: {  	s5 =	rddreg [dreg:$0x0];
	s1 =	sshll.u32 s0, $0x4  }
0x3: {  	s2 =	rddreg [dreg:$0x1];
	s0 =	stileid.u32;
	s1 =	sand.u32 $0x10, s1  }
0x4: {  	s4 =	simm.s32 $0x1;
	s8 =	simm.s32 $0x2;
	s1 =	sor.u32 s0, s1  }
0x5: {  	s12 =	simm.s32 $0x0;
	s9 =	simm.s32 $0x0;
	s3 =	sshll.u32 s1, $0x7  }
0x6: {  	s11 =	simm.s32 $0x0;
	s5 =	sadd.s32 $0x100800, s5;
	s6 =	ssub.s32 $0x400000, s3  }
.Ltmp0:
0x7: {  	s1 =	rddreg [dreg:$0x2];
	s7 =	sand.u32 $0xF80, s6;
	(pc) =	sbr.rel .LBB1_1-.Ltmp0, $4  }
0x8: {  	_ =	strace $0x80000047;
	p0 =	sne.s32 s7, $0x0;
	s7 =	simm.s32 $0x1  }
0x9: {  	[sflag:s4] =	ssyncpa.u1 $0x0;
	s6 =	sshrl.u32 s6, $0xC;
	s7 =	simm.s32 @!p0 $0x0  }
0xa: {  	s10 =	smov.u32 s3;
	[sflag:s8] =	ssyncpa.u1 $0x0;
	s6 =	sadd.s32 s7, s6  }
0xb: {  	s8 =	simm.s32 $0x800000;
	p0 =	por $0x0, $0x0;
	s7 =	sadd.s32 $0x1, s6  }
.LBB1_4:
0xc: {  	p1 =	sgt.s32 s9, $0x3FFF80;
	s15 =	smov.u32 s9;
	s16 =	sshra.s32 s9, $0x1F  }
0xd: {  	s15 =	simm.s32 @!p1 $0x3FFF80;
	s16 =	sand.u32 s16, s9  }
0xe: {  	s15 =	ssub.s32 s15, s16  }
0xf: {  	s28 =	sand.u32 $0x78, s9;
	s17 =	sshll.u32 s9, $0x1;
	s15 =	sadd.s32 $0xFFC00080, s15  }
0x10: {  	s17 =	sand.u32 $0x7FFF00, s17;
	p1 =	sgt.s32 s15, $0x7F;
	s15 =	sshll.u32 s15, $0x3  }
0x11: {  	s29 =	sand.u32 $0x7, s9;
	s16 =	sor.u32 s28, s17;
	s15 =	ssub.s32 $0x400, s15  }
0x12: {  	s17 =	sshll.u32 s29, $0x12;
	s16 =	sshrl.u32 s16, $0x3;
	s15 =	sshrl.u32 s15, $0x2  }
0x13: {  	[tilespmem:s14+$0x0 ss:$0x81] =	vst.msk $0xffff, v0;
	s31 =	sor.u32 $0x100, s17;
	s30 =	sadd.s32 s2, s16;
	s15 =	simm.s32 @p1 $0x0  }
0x14: {  	[hbm4b:s30+s31] =	stream.strided.scatter [tilespmem:s13], [sflag:$0x2], s15, s8, s31, $0x20;
	[tilespmem:$0x4040] =	vst v63  }
.LBB1_5:
0x15: {  	p1 =	slt.u32 s11, $0x2  }
0x16: {  	p2 =	sgt.s32 @!p1 s12, $0x3FFF80  }
0x17: {  	s13 =	smov.u32 s12;
	s14 =	sshra.s32 @!p1 s12, $0x1F;
	p2 =	por !p2, p1  }
0x18: {  	s12 =	sand.u32 @!p1 s14, s12;
	s13 =	simm.s32 @p2 $0x3FFF80  }
0x19: {  	s12 =	ssub.s32 @!p1 s13, s12  }
0x1a: {  	s12 =	sadd.s32 @!p1 $0xFFC00080, s12  }
0x1b: {  	s13 =	sshll.u32 @!p1 s12, $0x3  }
0x1c: {  	p2 =	sgt.s32 @!p1 s12, $0x7F;
	s12 =	ssub.s32 @!p1 $0x400, s13  }
0x1d: {  	s14 =	sadd.s32 $0x1000, s10;
	p2 =	por !p2, p1;
	s12 =	sshrl.u32 @!p1 s12, $0x2  }
0x1e: {  	s12 =	simm.s32 @!p2 $0x0;
	p2 =	sgt.s32 s14, $0x3FFFFF  }
0x1f: {  	s14 =	smov.u32 @p2 s3;
	p2 =	sne.s32 s11, s7  }
.Ltmp1:
0x20: {  	_ = 	snop;
	(pc) =	sbr.rel @!p2 .LBB1_6-.Ltmp1, $4  }
0x21: {  	s13 =	simm.s32 @!p1 $0x2  }
0x22: {  	p0 =	por !p0, !p0;
	_ =	swait.ge @!p1 [sflag:s13], s12;
	s15 =	ssub.s32 @!p1 $0x0, s12  }
0x23: {  	s12 =	smov.u32 s9;
	s11 =	sadd.s32 $0x1, s11;
	[sflag:s13] =	ssyncset.done @!p1 $0x0  }
0x24: {  	s9 =	smov.u32 s10;
	s10 =	smov.u32 s14;
	[sflag:s13] =	ssyncadd.s32 @!p1 s15  }
.LBB1_1:
0x25: {  	p1 =	sge.u32 s11, s6  }
0x26: {  	s31 =	sadd.s32 $0xFFFFFFFF, s11;
	s13 =	sxor.u32 @!p1 $0xFFFFFFFF, s11;
	s14 =	sshll.u32 @!p1 s10, $0x4  }
0x27: {  	s15 =	simm.s32 @!p1 $0x20;
	s13 =	sshll.u32 @!p1 s13, $0xC;
	s14 =	sand.u32 @!p1 $0x3FFFFF0, s14  }
0x28: {  	s16 =	simm.s32 @!p1 $0x80;
	s13 =	sand.u32 @!p1 $0x1000, s13;
	s14 =	sadd.s32 @!p1 s5, s14  }
0x29: {  	[tilespmem:s13], [sflag:$0x1] =	stream.strided.gather @!p1 [hbm4b:s14+s15], $0x1000, s16, s15, $0x38;
	[tilespmem:$0x4040] =	vst v63  }
0x2a: {  	p1 =	sge.u32 s31, s6  }
.Ltmp2:
0x2b: {  	_ = 	snop;
	(pc) =	sbr.rel @p1 .LBB1_5-.Ltmp2, $1  }
0x2c: {  	_ =	sdelay $0x3  }
0x2d: {  	s13 =	simm.s32 $0x1  }
0x2e: {  	_ =	swait.ge [sflag:s4], $0x1000;
	s13 =	simm.s32 @!p0 $0x0  }
0x2f: {  	[sflag:s4] =	ssyncset.done $0x0;
	s14 =	sshll.u32 s13, $0xC  }
0x30: {  	[sflag:s4] =	ssyncadd.s32 $0xFFFFF000;
	s17 =	sor.u32 $0x10, s14  }
0x31: {  	s13 =	smul.u32 $0x4080, s13;
	v1 =	vld [tilespmem:s17+$0x0]  }
0x32: {  	s30 =	sand.u32 $0x1, s11;
	v0 =	vld [tilespmem:s17+$0xFFFFFFF0]  }
0x33: {  	s14 =	smul.u32 $0x4080, s30;
	s13 =	sshrl.u32 s13, $0x2  }
0x34: {  	s15 =	sor.u32 $0x2000, s13  }
0x35: {  	s31 =	sshrl.u32 s14, $0x2;
	s14 =	sadd.s32 $0x0, s15  }
0x36: {  	s16 =	simm.s32 $0x4;
	s17 =	sadd.s32 $0x20, s17;
	s13 =	sor.u32 $0x2000, s31;
	[tilespmem:s14+$0x810 ss:$0x81] =	vst.msk $0xffff, v1  }
.LBB1_3:
0x37: {  	v1 =	vld [tilespmem:s17+$0x0];
	p1 =	sne.s32 s16, $0x1FC;
	[tilespmem:s14+$0x0 ss:$0x81] =	vst.msk $0xffff, v0;
	s14 =	smov.u32 s16;
	s16 =	sadd.s32 $0x4, s16  }
.Ltmp3:
0x38: {  	v0 =	vld [tilespmem:s17+$0xFFFFFFF0];
	(pc) =	sbr.rel @p1 .LBB1_3-.Ltmp3, $4  }
0x39: {  	_ = 	snop  }
0x3a: {  	s14 =	sshra.s32 s14, $0x2  }
0x3b: {  	s14 =	sadd.s32 s14, s15  }
0x3c: {  	s17 =	sadd.s32 $0x20, s17;
	[tilespmem:s14+$0x810 ss:$0x81] =	vst.msk $0xffff, v1  }
.Ltmp4:
0x3d: {  	_ = 	snop;
	(pc) =	sbr.rel .LBB1_4-.Ltmp4, $1  }
0x3e: {  	_ =	sdelay $0x3  }
.LBB1_6:
0x3f: {  	_ =	sfence.sel $0x180000  }
0x40: {  	s2 =	simm.s32 $0x1;
	[bflag:$0x0] =	sbarrier.arrive $0xFFFF  }
0x41: {  	s31 =	simm.s32 $0x2;
	[sflag:s2] =	ssyncpa.u1 $0x1  }
0x42: {  	[sflag:s31] =	ssyncpa.u1 $0x1  }
0x43: {  	p0 =	sne.s32 s0, $0x0;
	_ =	strace $0x90000047  }
0x44: {  	s0 =	sadd.s32 @!p0 $0x100000, s1;
	[bflag:$0x2] =	sbarrier.arrive $0xFFFF  }
0x45: {  	[sflag:s0] =	ssyncadd.tile.s32 @!p0 $0x1;
	_ =	shalt  }
.Lfunc_end1:
_tile_overlayer_lowered:
.L_overlay_start_2:
0x46: {  	(tag) =	ssettag $0x2  }
0x47: {  	s0 =	rddreg [dreg:$0x0];
	s2 =	stileid.u32  }
0x48: {  	s1 =	rddreg [dreg:$0x1];
	p0 =	sne.s32 s2, $0x0  }
0x49: {  	s3 =	rddreg [dreg:$0x2];
	[bflag:$0x3] =	sbarrier.arrive $0xFFFF;
	s2 =	simm.s32 @!p0 $0x1C01  }
0x4a: {  	[timem:s3], [sflag:s2] =	dma.local @!p0 [hbm:s0], s1  }
0x4b: {  	s0 =	simm.s32 @!p0 $0x1  }
0x4c: {  	_ =	swait.ge @!p0 [sflag:s0], s1  }
0x4d: {  	s1 =	ssub.s32 @!p0 $0x0, s1;
	[sflag:s0] =	ssyncset.done @!p0 $0x0  }
0x4e: {  	[sflag:s0] =	ssyncadd.s32 @!p0 s1  }
0x4f: {  	[bflag:$0x3] =	sbarrier.arrive $0xFFFF  }
0x50: {  	_ =	shalt  }

</sc_bundles>
